<compile_context>
chip_gen: v7x
topology: tpu7x:2x2x1
jax: 0.10.2.dev20260603
libtpu: 0.0.44.dev20260713+nightly
codegen_flags: <defaults>
</compile_context>

<pallas_src>
import functools

import jax
import jax.numpy as jnp
from jax import lax
from jax.experimental import pallas as pl
from jax.experimental.pallas import tpu as pltpu
from jax.experimental.pallas import tpu_sc as plsc

VOCAB = 100000
HIDDEN = 64
B = 16
S = 50
EOS = 2
NUM_IDS = B * S


_NC = 2
_NS = 16
_ROWS_PER_W = 32
_ACTIVE = NUM_IDS // _ROWS_PER_W


def _sc_gather_body(idx_hbm, table_hbm, out_hbm, row_v, rows_v, sem):
    wid = lax.axis_index("s") * _NC + lax.axis_index("c")

    @pl.when(wid < B)
    def _():
        pltpu.sync_copy(idx_hbm.at[pl.ds(wid, 1)], row_v)
        pltpu.async_copy(table_hbm.at[row_v.at[0]], rows_v, sem).wait()

        def _add_bias(r):
            for c in range(HIDDEN // 16):
                sl = pl.ds(c * 16, 16)
                rows_v[r, sl] = rows_v[r, sl] + 0.5
        pl.loop(0, S)(_add_bias)
        pltpu.sync_copy(rows_v, out_hbm.at[pl.ds(wid * S, S)])


@functools.lru_cache(maxsize=1)
def _sc_gather():
    return functools.partial(
        pl.kernel,
        mesh=plsc.VectorSubcoreMesh(core_axis_name="c", subcore_axis_name="s"),
        out_type=jax.ShapeDtypeStruct((NUM_IDS, HIDDEN), jnp.float32),
        compiler_params=pltpu.CompilerParams(use_tc_tiling_on_sc=False),
        scratch_types=[
            pltpu.VMEM((1, S), jnp.int32),
            pltpu.VMEM((S, HIDDEN), jnp.float32),
            pltpu.SemaphoreType.DMA,
        ],
    )(_sc_gather_body)





def _fill_body(out_ref):
    out_ref[...] = jnp.full((1, B, VOCAB), -1000.0, jnp.float32)

    @pl.when(pl.program_id(0) == S - 1)
    def _():
        col = lax.broadcasted_iota(jnp.int32, (1, B, 128), 2)
        out_ref[0:1, :, 0:128] = jnp.where(col == EOS, 1000.0, -1000.0)


_fill_logits = pl.pallas_call(
    _fill_body,
    grid=(S,),
    out_specs=pl.BlockSpec((1, B, VOCAB), lambda s: (s, 0, 0)),
    out_shape=jax.ShapeDtypeStruct((S, B, VOCAB), jnp.float32),
    compiler_params=pltpu.CompilerParams(
        dimension_semantics=("arbitrary",)),
)



def kernel(input_ids, table):
    hidden = _sc_gather()(input_ids, table).reshape(B, S, HIDDEN)
    logits = _fill_logits().transpose(1, 0, 2)
    cache = jnp.zeros((1, 1, S, HIDDEN), jnp.float32)
    return (logits, hidden, cache, cache)

# --- scband reference (transcript-rebuilt; emitter-appended) ---
"""Pipeline reference for scband-fake-decode-model-70085276336504 (READ-ONLY COPY).

The authoritative reference and input builder live on the scoring server;
editing this copy changes nothing except your own understanding.
"""

import jax, jax.numpy as jnp
import numpy as np

VOCAB = 100000
HIDDEN = 64
EOS_TOKEN_ID = 2


def setup_inputs(seed: int = 0) -> dict:
    key = jax.random.key(seed)
    k1, k2 = jax.random.split(key)
    input_ids = jax.random.randint(k1, (16, 50), 0, VOCAB, dtype=jnp.int32)
    # learned parameter: embedding table sized per init_kwargs
    table = jax.random.normal(k2, (VOCAB, HIDDEN), dtype=jnp.float32)
    return {"input_ids": input_ids, "table": table}


def reference(input_ids, table):
    # inputs_embeds = self.embedding(input_ids)
    inputs_embeds = jnp.take(table, input_ids, axis=0)
    B, S, H = inputs_embeds.shape
    past_length = 0  # past_key_values is None
    total_length = past_length + S
    # logits = torch.full((B, S, vocab), -1000.0); logits[:, -1, next_token_id] = 1000.0
    logits = jnp.full((B, S, VOCAB), -1000.0, dtype=jnp.float32)
    next_token_id = EOS_TOKEN_ID if total_length >= 8 else total_length % 7 + 1
    logits = logits.at[:, -1, next_token_id].set(1000.0)
    # hidden = inputs_embeds + 0.01 * total_length (output_hidden_states=True path)
    hidden = inputs_embeds + 0.01 * total_length
    # cache = ((zeros(1,1,total_length,H), zeros(1,1,total_length,H)),)
    k_cache = jnp.zeros((1, 1, total_length, H), dtype=jnp.float32)
    v_cache = jnp.zeros((1, 1, total_length, H), dtype=jnp.float32)
    return (logits, hidden, k_cache, v_cache)

if __name__ == "__main__":
    import jax
    _d = setup_inputs()
    print(jax.jit(kernel)(*tuple(_d.values())))

</pallas_src>

<mosaic_0001>
#map = affine_map<(d0, d1) -> (0, 0)>
module attributes {stable_mosaic.version = 14 : i64} {
  func.func @_sc_gather_body(%arg0: i32, %arg1: i32, %arg2: memref<16x50xi32, #tpu.memory_space<hbm>>, %arg3: memref<100000x64xf32, #tpu.memory_space<hbm>>, %arg4: memref<800x64xf32, #tpu.memory_space<hbm>>, %arg5: memref<1x50xi32, #tpu.memory_space<vmem>>, %arg6: memref<50x64xf32, #tpu.memory_space<vmem>>, %arg7: memref<!tpu.dma_semaphore, #tpu.memory_space<semaphore_mem>>) attributes {dimension_semantics = [#tpu.dimension_semantics<core_parallel>, #tpu.dimension_semantics<subcore_parallel>], iteration_bounds = array<i64: 2, 16>, scalar_prefetch = 0 : i64, scratch_operands = 3 : i64, tpu.core_type = #tpu.core_type<sc_vector_subcore>, window_params = [{transform_indices = #map}, {transform_indices = #map}, {transform_indices = #map}]} {
    %mul3A = arith.constant 2 : i32
    %mul3A_0 = arith.muli %arg1, %mul3A : i32
    %add3A = arith.addi %mul3A_0, %arg0 : i32
    %lt3A = arith.constant 16 : i32
    %lt3A_1 = arith.cmpi slt, %add3A, %lt3A : i32
    %convert_element_type3A = arith.extui %lt3A_1 : i1 to i32
    %cond3A = arith.constant 0 : i32
    %cond3A_2 = arith.cmpi ne, %convert_element_type3A, %cond3A : i32
    scf.if %cond3A_2 {
      "tpu.region"() ({
        %run_scoped3A = tpu.sem_alloc : memref<!tpu.dma_semaphore, #tpu.memory_space<semaphore_mem>>
        %dma_start3A_21 = arith.constant 0 : i32
        %dma_start3A_22 = tpu.memref_slice %arg2[%add3A, %dma_start3A_21] : memref<16x50xi32, #tpu.memory_space<hbm>> -> memref<1x50xi32, #tpu.memory_space<hbm>>
        %dma_start3A_23 = arith.constant 0 : i32
        %dma_start3A_24 = tpu.memref_slice %arg2[%add3A, %dma_start3A_23] : memref<16x50xi32, #tpu.memory_space<hbm>> -> memref<1x50xi32, #tpu.memory_space<hbm>>
        tpu.enqueue_dma source(%dma_start3A_24 : memref<1x50xi32, #tpu.memory_space<hbm>>) target(%arg5 : memref<1x50xi32, #tpu.memory_space<vmem>>) target_semaphore(%run_scoped3A : memref<!tpu.dma_semaphore, #tpu.memory_space<semaphore_mem>>)
        %dma_wait3A_25 = arith.constant 0 : i32
        %dma_wait3A_26 = tpu.memref_slice %arg2[%add3A, %dma_wait3A_25] : memref<16x50xi32, #tpu.memory_space<hbm>> -> memref<1x50xi32, #tpu.memory_space<hbm>>
        %dma_wait3A_27 = arith.constant 0 : i32
        %dma_wait3A_28 = tpu.memref_slice %arg2[%add3A, %dma_wait3A_27] : memref<16x50xi32, #tpu.memory_space<hbm>> -> memref<1x50xi32, #tpu.memory_space<hbm>>
        tpu.wait_dma2 semaphore(%run_scoped3A : memref<!tpu.dma_semaphore, #tpu.memory_space<semaphore_mem>>) src(%dma_wait3A_28 : memref<1x50xi32, #tpu.memory_space<hbm>>) dst(%arg5 : memref<1x50xi32, #tpu.memory_space<vmem>>)
        tpu.yield
      }) : () -> ()
      %dma_start3A = arith.constant 0 : i32
      %dma_start3A_3 = arith.constant 0 : i32
      %dma_start3A_4 = tpu.memref_slice %arg5[%dma_start3A, %dma_start3A_3] : memref<1x50xi32, #tpu.memory_space<vmem>> -> memref<1x50xi32, #tpu.memory_space<vmem>>
      %dma_start3A_5 = tpu.memref_squeeze %dma_start3A_4 : memref<1x50xi32, #tpu.memory_space<vmem>> -> memref<50xi32, #tpu.memory_space<vmem>>
      %dma_start3A_6 = arith.constant 0 : i32
      %dma_start3A_7 = arith.constant 0 : i32
      %dma_start3A_8 = tpu.memref_slice %arg3[%dma_start3A_6, %dma_start3A_7] : memref<100000x64xf32, #tpu.memory_space<hbm>> -> memref<100000x64xf32, #tpu.memory_space<hbm>>
      tpu.enqueue_indirect_dma source(%dma_start3A_8 : memref<100000x64xf32, #tpu.memory_space<hbm>>) target(%arg6 : memref<50x64xf32, #tpu.memory_space<vmem>>) offsets(%dma_start3A_5 : memref<50xi32, #tpu.memory_space<vmem>>) semaphore(%arg7 : memref<!tpu.dma_semaphore, #tpu.memory_space<semaphore_mem>>)
      %dma_wait3A = arith.constant 0 : i32
      %dma_wait3A_9 = arith.constant 0 : i32
      %dma_wait3A_10 = tpu.memref_slice %arg5[%dma_wait3A, %dma_wait3A_9] : memref<1x50xi32, #tpu.memory_space<vmem>> -> memref<1x50xi32, #tpu.memory_space<vmem>>
      %dma_wait3A_11 = tpu.memref_squeeze %dma_wait3A_10 : memref<1x50xi32, #tpu.memory_space<vmem>> -> memref<50xi32, #tpu.memory_space<vmem>>
      %dma_wait3A_12 = arith.constant 0 : i32
      %dma_wait3A_13 = arith.constant 0 : i32
      %dma_wait3A_14 = tpu.memref_slice %arg3[%dma_wait3A_12, %dma_wait3A_13] : memref<100000x64xf32, #tpu.memory_space<hbm>> -> memref<100000x64xf32, #tpu.memory_space<hbm>>
      tpu.wait_indirect_dma semaphore(%arg7 : memref<!tpu.dma_semaphore, #tpu.memory_space<semaphore_mem>>) src(%dma_wait3A_14 : memref<100000x64xf32, #tpu.memory_space<hbm>>) dst(%arg6 : memref<50x64xf32, #tpu.memory_space<vmem>>)
      %scan3A = arith.constant 0 : i32
      %scan3A_15 = arith.constant 50 : i32
      %scan3A_16 = arith.addi %scan3A, %scan3A_15 : i32
      %scan3A_17 = arith.constant 1 : i32
      scf.for %scan3A_21 = %scan3A to %scan3A_16 step %scan3A_17  : i32 {
        %mul3A_22 = arith.constant 1 : i32
        %mul3A_23 = arith.muli %scan3A_21, %mul3A_22 : i32
        %add3A_24 = arith.constant 0 : i32
        %add3A_25 = arith.addi %add3A_24, %mul3A_23 : i32
        %get3A = arith.index_cast %add3A_25 : i32 to index
        %get3A_26 = arith.constant 0 : index
        %get3A_27 = tpu.vector_load %arg6[%get3A, %get3A_26] {strides = array<i32>} : memref<50x64xf32, #tpu.memory_space<vmem>>, vector<1x16xf32>,
        %get3A_28 = vector.shape_cast %get3A_27 : vector<1x16xf32> to vector<16xf32>
        %add3A_29 = arith.constant 5.000000e-01 : f32
        %add3A_30 = vector.broadcast %add3A_29 : f32 to vector<16xf32>
        %add3A_31 = arith.addf %get3A_28, %add3A_30 : vector<16xf32>
        %swap3A = arith.index_cast %add3A_25 : i32 to index
        %swap3A_32 = arith.constant 0 : index
        %swap3A_33 = tpu.vector_load %arg6[%swap3A, %swap3A_32] {strides = array<i32>} : memref<50x64xf32, #tpu.memory_space<vmem>>, vector<1x16xf32>,
        %swap3A_34 = vector.shape_cast %swap3A_33 : vector<1x16xf32> to vector<16xf32>
        %swap3A_35 = vector.shape_cast %add3A_31 : vector<16xf32> to vector<1x16xf32>
        tpu.vector_store %arg6[%swap3A, %swap3A_32], %swap3A_35 {strides = array<i32>} : memref<50x64xf32, #tpu.memory_space<vmem>>, vector<1x16xf32>,
        %get3A_36 = arith.index_cast %add3A_25 : i32 to index
        %get3A_37 = arith.constant 16 : index
        %get3A_38 = tpu.vector_load %arg6[%get3A_36, %get3A_37] {strides = array<i32>} : memref<50x64xf32, #tpu.memory_space<vmem>>, vector<1x16xf32>,
        %get3A_39 = vector.shape_cast %get3A_38 : vector<1x16xf32> to vector<16xf32>
        %add3A_40 = arith.constant 5.000000e-01 : f32
        %add3A_41 = vector.broadcast %add3A_40 : f32 to vector<16xf32>
        %add3A_42 = arith.addf %get3A_39, %add3A_41 : vector<16xf32>
        %swap3A_43 = arith.index_cast %add3A_25 : i32 to index
        %swap3A_44 = arith.constant 16 : index
        %swap3A_45 = tpu.vector_load %arg6[%swap3A_43, %swap3A_44] {strides = array<i32>} : memref<50x64xf32, #tpu.memory_space<vmem>>, vector<1x16xf32>,
        %swap3A_46 = vector.shape_cast %swap3A_45 : vector<1x16xf32> to vector<16xf32>
        %swap3A_47 = vector.shape_cast %add3A_42 : vector<16xf32> to vector<1x16xf32>
        tpu.vector_store %arg6[%swap3A_43, %swap3A_44], %swap3A_47 {strides = array<i32>} : memref<50x64xf32, #tpu.memory_space<vmem>>, vector<1x16xf32>,
        %get3A_48 = arith.index_cast %add3A_25 : i32 to index
        %get3A_49 = arith.constant 32 : index
        %get3A_50 = tpu.vector_load %arg6[%get3A_48, %get3A_49] {strides = array<i32>} : memref<50x64xf32, #tpu.memory_space<vmem>>, vector<1x16xf32>,
        %get3A_51 = vector.shape_cast %get3A_50 : vector<1x16xf32> to vector<16xf32>
        %add3A_52 = arith.constant 5.000000e-01 : f32
        %add3A_53 = vector.broadcast %add3A_52 : f32 to vector<16xf32>
        %add3A_54 = arith.addf %get3A_51, %add3A_53 : vector<16xf32>
        %swap3A_55 = arith.index_cast %add3A_25 : i32 to index
        %swap3A_56 = arith.constant 32 : index
        %swap3A_57 = tpu.vector_load %arg6[%swap3A_55, %swap3A_56] {strides = array<i32>} : memref<50x64xf32, #tpu.memory_space<vmem>>, vector<1x16xf32>,
        %swap3A_58 = vector.shape_cast %swap3A_57 : vector<1x16xf32> to vector<16xf32>
        %swap3A_59 = vector.shape_cast %add3A_54 : vector<16xf32> to vector<1x16xf32>
        tpu.vector_store %arg6[%swap3A_55, %swap3A_56], %swap3A_59 {strides = array<i32>} : memref<50x64xf32, #tpu.memory_space<vmem>>, vector<1x16xf32>,
        %get3A_60 = arith.index_cast %add3A_25 : i32 to index
        %get3A_61 = arith.constant 48 : index
        %get3A_62 = tpu.vector_load %arg6[%get3A_60, %get3A_61] {strides = array<i32>} : memref<50x64xf32, #tpu.memory_space<vmem>>, vector<1x16xf32>,
        %get3A_63 = vector.shape_cast %get3A_62 : vector<1x16xf32> to vector<16xf32>
        %add3A_64 = arith.constant 5.000000e-01 : f32
        %add3A_65 = vector.broadcast %add3A_64 : f32 to vector<16xf32>
        %add3A_66 = arith.addf %get3A_63, %add3A_65 : vector<16xf32>
        %swap3A_67 = arith.index_cast %add3A_25 : i32 to index
        %swap3A_68 = arith.constant 48 : index
        %swap3A_69 = tpu.vector_load %arg6[%swap3A_67, %swap3A_68] {strides = array<i32>} : memref<50x64xf32, #tpu.memory_space<vmem>>, vector<1x16xf32>,
        %swap3A_70 = vector.shape_cast %swap3A_69 : vector<1x16xf32> to vector<16xf32>
        %swap3A_71 = vector.shape_cast %add3A_66 : vector<16xf32> to vector<1x16xf32>
        tpu.vector_store %arg6[%swap3A_67, %swap3A_68], %swap3A_71 {strides = array<i32>} : memref<50x64xf32, #tpu.memory_space<vmem>>, vector<1x16xf32>,
      }
      %scan3A_18 = arith.constant 50 : i32
      %mul3A_19 = arith.constant 50 : i32
      %mul3A_20 = arith.muli %add3A, %mul3A_19 : i32
      "tpu.region"() ({
        %run_scoped3A = tpu.sem_alloc : memref<!tpu.dma_semaphore, #tpu.memory_space<semaphore_mem>>
        %dma_start3A_21 = arith.constant 0 : i32
        %dma_start3A_22 = tpu.memref_slice %arg4[%mul3A_20, %dma_start3A_21] : memref<800x64xf32, #tpu.memory_space<hbm>> -> memref<50x64xf32, #tpu.memory_space<hbm>>
        %dma_start3A_23 = arith.constant 0 : i32
        %dma_start3A_24 = tpu.memref_slice %arg4[%mul3A_20, %dma_start3A_23] : memref<800x64xf32, #tpu.memory_space<hbm>> -> memref<50x64xf32, #tpu.memory_space<hbm>>
        tpu.enqueue_dma source(%arg6 : memref<50x64xf32, #tpu.memory_space<vmem>>) target(%dma_start3A_24 : memref<50x64xf32, #tpu.memory_space<hbm>>) target_semaphore(%run_scoped3A : memref<!tpu.dma_semaphore, #tpu.memory_space<semaphore_mem>>)
        %dma_wait3A_25 = arith.constant 0 : i32
        %dma_wait3A_26 = tpu.memref_slice %arg4[%mul3A_20, %dma_wait3A_25] : memref<800x64xf32, #tpu.memory_space<hbm>> -> memref<50x64xf32, #tpu.memory_space<hbm>>
        %dma_wait3A_27 = arith.constant 0 : i32
        %dma_wait3A_28 = tpu.memref_slice %arg4[%mul3A_20, %dma_wait3A_27] : memref<800x64xf32, #tpu.memory_space<hbm>> -> memref<50x64xf32, #tpu.memory_space<hbm>>
        tpu.wait_dma2 semaphore(%run_scoped3A : memref<!tpu.dma_semaphore, #tpu.memory_space<semaphore_mem>>) src(%arg6 : memref<50x64xf32, #tpu.memory_space<vmem>>) dst(%dma_wait3A_28 : memref<50x64xf32, #tpu.memory_space<hbm>>)
        tpu.yield
      }) : () -> ()
    } else {
    }
    return
  }
}

module attributes {stable_mosaic.version = 14 : i64} {
  func.func @_fill_body(%arg0: i32, %arg1: memref<1x16x100000xf32, #tpu.memory_space<vmem>>) attributes {dimension_semantics = [#tpu.dimension_semantics<arbitrary>], iteration_bounds = array<i64: 50>, scalar_prefetch = 0 : i64, scratch_operands = 0 : i64, tpu.core_type = #tpu.core_type<tc>, window_params = [{transform_indices = @transform_0, window_bounds = array<i64: 1, 16, 100000>}]} {
    %broadcast_in_dim3A = arith.constant -1.000000e+03 : f32
    %broadcast_in_dim3A_0 = vector.broadcast %broadcast_in_dim3A : f32 to vector<1x16x100000xf32>
    %swap3A = arith.constant 0 : index
    %swap3A_1 = arith.constant 0 : index
    %swap3A_2 = arith.constant 0 : index
    %swap3A_3 = vector.load %arg1[%swap3A, %swap3A_1, %swap3A_2] : memref<1x16x100000xf32, #tpu.memory_space<vmem>>, vector<1x16x100000xf32>
    tpu.vector_store %arg1[%swap3A, %swap3A_1, %swap3A_2], %broadcast_in_dim3A_0 {strides = array<i32>} : memref<1x16x100000xf32, #tpu.memory_space<vmem>>, vector<1x16x100000xf32>,
    %eq3A = arith.constant 49 : i32
    %eq3A_4 = arith.cmpi eq, %arg0, %eq3A : i32
    %convert_element_type3A = arith.extui %eq3A_4 : i1 to i32
    %cond3A = arith.constant 0 : i32
    %cond3A_5 = arith.cmpi ne, %convert_element_type3A, %cond3A : i32
    scf.if %cond3A_5 {
      %iota3A = tpu.iota {dimensions = array<i32: 2>} : vector<1x16x128xi32>
      %eq3A_6 = arith.constant 2 : i32
      %eq3A_7 = vector.broadcast %eq3A_6 : i32 to vector<1x16x128xi32>
      %eq3A_8 = arith.cmpi eq, %iota3A, %eq3A_7 : vector<1x16x128xi32>
      %jit3A = arith.constant 1.000000e+03 : f32
      %jit3A_9 = arith.constant -1.000000e+03 : f32
      %broadcast_in_dim3A_10 = vector.broadcast %jit3A : f32 to vector<1x16x128xf32>
      %broadcast_in_dim3A_11 = vector.broadcast %jit3A_9 : f32 to vector<1x16x128xf32>
      %select_n3A = arith.select %eq3A_8, %broadcast_in_dim3A_10, %broadcast_in_dim3A_11 : vector<1x16x128xi1>, vector<1x16x128xf32>
      %swap3A_12 = arith.constant 0 : index
      %swap3A_13 = arith.constant 0 : index
      %swap3A_14 = arith.constant 0 : index
      %swap3A_15 = vector.load %arg1[%swap3A_12, %swap3A_13, %swap3A_14] : memref<1x16x100000xf32, #tpu.memory_space<vmem>>, vector<1x16x128xf32>
      tpu.vector_store %arg1[%swap3A_12, %swap3A_13, %swap3A_14], %select_n3A {strides = array<i32>} : memref<1x16x100000xf32, #tpu.memory_space<vmem>>, vector<1x16x128xf32>,
    } else {
    }
    return
  }
  func.func @transform_0(%arg0: i32) -> (i32, i32, i32) {
    %c0_i32 = arith.constant 0 : i32
    %c0_i32_0 = arith.constant 0 : i32
    %c0_i32_1 = arith.constant 0 : i32
    return %arg0, %c0_i32, %c0_i32_0 : i32, i32, i32
  }
}

</mosaic_0001>

<sc_bundles>
// kernel: kernel.4.cloned.1.call-start
scs
__scs_entry_jumppad:
0x0: {  	(pc) =	sbr.rel $0x88, $3  }
0x1: {  	(tag) =	ssettag $0x0;
	lr =	simm.s32 $0x1  }
0x2: {  	[smem:$0x3F9F] =	sst lr;
	_ =	strace $0xD0000000  }
0x3: {  	_ = 	snop  }
0x4: {  	_ = 	snop  }
0x5: {  	_ = 	snop  }
0x6: {  	_ = 	snop  }
0x7: {  	_ = 	snop  }
__scs_overlays_trampoline_lowered:
0x8: {  	[smem:$0x3FAE] =	sst s0  }
0x9: {  	[smem:$0x3FAF] =	sst s1  }
0xa: {  	[smem:$0x3FB0] =	sst s2  }
0xb: {  	[smem:$0x3FB1] =	sst s3  }
0xc: {  	[smem:$0x3FB2] =	sst s4  }
0xd: {  	[smem:$0x3FB3] =	sst s5  }
0xe: {  	[smem:$0x3FB4] =	sst s6  }
0xf: {  	[smem:$0x3FB5] =	sst s7  }
0x10: {  	[smem:$0x3FB6] =	sst s8  }
0x11: {  	[smem:$0x3FB7] =	sst s9;
	s0 =	simm.s32 @!p0 $0x0  }
0x12: {  	s1 =	sld [smem:$0x3F9D];
	s0 =	simm.s32 @p0 $0x1  }
0x13: {  	[smem:$0x3FB8] =	sst s0;
	s0 =	simm.s32 @!p1 $0x0  }
0x14: {  	s2 =	sld [smem:$0x3F9C];
	s0 =	simm.s32 @p1 $0x1  }
0x15: {  	[smem:$0x3FB9] =	sst s0;
	s0 =	simm.s32 @!p2 $0x0  }
0x16: {  	s3 =	sld [smem:$0x3FDB];
	s0 =	simm.s32 @p2 $0x1  }
0x17: {  	s4 =	simm.s32 $0x1BF5;
	[smem:$0x3FBB] =	sst s0  }
0x18: {  	s0 =	sld [smem:$0x3F9E];
	_ =	swait.ge [sflag:s4], $0x0  }
0x19: {  	s7 =	sld [smem:$0x3F9F]  }
0x1a: {  	s8 =	sadd.s32 $0xFFFFE003, lr  }
0x1b: {  	s9 =	sadd.s32 $0xFFFFFEF7, lr;
	s5 =	simm.s32 $0xFFFFFFFF;
	p2 =	slt.u32 s8, $0xFFFFF086  }
0x1c: {  	p1 =	slt.u32 s9, $0xF7A;
	s5 =	simm.s32 @!p2 $0x0  }
0x1d: {  	s5 =	simm.s32 @p1 $0x1;
	p0 =	seq.s32 s7, s2  }
0x1e: {  	s7 =	smul.u32 @!p0 $0xF7A, s2;
	p2 =	seq.s32 @!p0 s5, $0x0  }
0x1f: {  	s9 =	smul.u32 $0xF7A, s1;
	s8 =	simm.s32 @!p0 $0x1BF5;
	p2 =	por !p2, p0  }
0x20: {  	[sflag:s8] =	ssyncset.s32 @!p0 $0xFFFFF086;
	s6 =	sadd.s32 @!p0 s3, s7;
	s7 =	simm.s32 @!p0 $0x108  }
0x21: {  	s3 =	sadd.s32 s3, s9;
	s6 =	sadd.s32 @!p0 $0x88, s6;
	s7 =	simm.s32 @p2 $0x1082  }
0x22: {  	[simem:s7], [sflag:s8] =	dma.local @!p0 [hbm:s6], $0xF7A  }
0x23: {  	s9 =	sor.u32 $0xD0000000, s2;
	s6 =	simm.s32 $0x108;
	_ =	swait.ge @!p0 [sflag:s8], $0x0  }
0x24: {  	s3 =	sadd.s32 $0x88, s3;
	s6 =	simm.s32 @!p1 $0x1082;
	[sflag:s4] =	ssyncset.s32 $0xFFFFF086  }
0x25: {  	[simem:s6], [sflag:s4] =	dma.local [hbm:s3], $0xF7A  }
0x26: {  	[smem:$0x3F9F] =	sst s1;
	(tag) =	ssettag s2;
	_ =	strace s9  }
0x27: {  	s1 =	sld [smem:$0x3FAF]  }
0x28: {  	s2 =	sld [smem:$0x3FB0]  }
0x29: {  	s4 =	sld [smem:$0x3FB2]  }
0x2a: {  	p0 =	seq.s32 s5, $0x0;
	s5 =	sld [smem:$0x3FB3]  }
0x2b: {  	s6 =	sld [smem:$0x3FB4]  }
0x2c: {  	s7 =	sld [smem:$0x3FB5]  }
0x2d: {  	s3 =	simm.s32 $0x108;
	s8 =	sld [smem:$0x3FB6]  }
0x2e: {  	s3 =	simm.s32 @!p0 $0x1082;
	s9 =	sld [smem:$0x3FB7]  }
0x2f: {  	lr =	sadd.s32 s0, s3;
	s0 =	sld [smem:$0x3FAE]  }
0x30: {  	s3 =	sld [smem:$0x3FB1]  }
0x31: {  	[smem:$0x3FBA] =	sst s10  }
0x32: {  	s10 =	sld [smem:$0x3FB8];
	_ =	sdelay $0x3  }
0x33: {  	p0 =	seq.s32 s10, $0x1;
	s10 =	sld [smem:$0x3FBA];
	_ =	sdelay $0x3  }
0x34: {  	[smem:$0x3FBA] =	sst s10  }
0x35: {  	s10 =	sld [smem:$0x3FB9];
	_ =	sdelay $0x3  }
0x36: {  	p1 =	seq.s32 s10, $0x1;
	s10 =	sld [smem:$0x3FBA];
	_ =	sdelay $0x3  }
0x37: {  	[smem:$0x3FBA] =	sst s10  }
0x38: {  	s10 =	sld [smem:$0x3FBB]  }
0x39: {  	_ = 	snop;
	(pc) =	sbr.ind lr, $3  }
0x3a: {  	_ = 	snop  }
0x3b: {  	_ = 	snop  }
0x3c: {  	p2 =	seq.s32 s10, $0x1;
	s10 =	sld [smem:$0x3FBA]  }
0x3d: {  	_ =	shalt  }
0x3e: {  	_ =	shalt  }
0x3f: {  	_ =	shalt  }
0x40: {  	_ =	shalt  }
0x41: {  	_ =	shalt  }
0x42: {  	_ =	shalt  }
0x43: {  	_ =	shalt  }
0x44: {  	_ =	shalt  }
0x45: {  	_ =	shalt  }
0x46: {  	_ =	shalt  }
0x47: {  	_ =	shalt  }
0x48: {  	_ =	shalt  }
0x49: {  	_ =	shalt  }
0x4a: {  	_ =	shalt  }
0x4b: {  	_ =	shalt  }
0x4c: {  	_ =	shalt  }
0x4d: {  	_ =	shalt  }
0x4e: {  	_ =	shalt  }
0x4f: {  	_ =	shalt  }
0x50: {  	_ =	shalt  }
0x51: {  	_ =	shalt  }
0x52: {  	_ =	shalt  }
0x53: {  	_ =	shalt  }
0x54: {  	_ =	shalt  }
0x55: {  	_ =	shalt  }
0x56: {  	_ =	shalt  }
0x57: {  	_ =	shalt  }
0x58: {  	_ =	shalt  }
0x59: {  	_ =	shalt  }
0x5a: {  	_ =	shalt  }
0x5b: {  	_ =	shalt  }
0x5c: {  	_ =	shalt  }
0x5d: {  	_ =	shalt  }
0x5e: {  	_ =	shalt  }
0x5f: {  	_ =	shalt  }
0x60: {  	_ =	shalt  }
0x61: {  	_ =	shalt  }
0x62: {  	_ =	shalt  }
0x63: {  	_ =	shalt  }
0x64: {  	_ =	shalt  }
0x65: {  	_ =	shalt  }
0x66: {  	_ =	shalt  }
0x67: {  	_ =	shalt  }
0x68: {  	_ =	shalt  }
0x69: {  	_ =	shalt  }
0x6a: {  	_ =	shalt  }
0x6b: {  	_ =	shalt  }
0x6c: {  	_ =	shalt  }
0x6d: {  	_ =	shalt  }
0x6e: {  	_ =	shalt  }
0x6f: {  	_ =	shalt  }
0x70: {  	_ =	shalt  }
0x71: {  	_ =	shalt  }
0x72: {  	_ =	shalt  }
0x73: {  	_ =	shalt  }
0x74: {  	_ =	shalt  }
0x75: {  	_ =	shalt  }
0x76: {  	_ =	shalt  }
0x77: {  	_ =	shalt  }
0x78: {  	_ =	shalt  }
0x79: {  	_ =	shalt  }
0x7a: {  	_ =	shalt  }
0x7b: {  	_ =	shalt  }
0x7c: {  	_ =	shalt  }
0x7d: {  	_ =	shalt  }
0x7e: {  	_ =	shalt  }
0x7f: {  	_ =	shalt  }
0x80: {  	_ =	shalt  }
0x81: {  	_ =	shalt  }
0x82: {  	_ =	shalt  }
0x83: {  	_ =	shalt  }
0x84: {  	_ =	shalt  }
0x85: {  	_ =	shalt  }
0x86: {  	_ =	shalt  }
0x87: {  	_ =	shalt  }
.Lfunc_end0:
.L_simem_size_0:
called_computation_lowered:
.L_overlay_start_0:
0x88: {  	s2 =	sld [smem:$0x3FD9]  }
0x89: {  	s3 =	sld [smem:$0x3FFE];
	_ =	sdelay $0x1  }
0x8a: {  	s1 =	srdreg.scid  }
0x8b: {  	s0 =	sand.u32 $0x1, s1  }
0x8c: {  	s14 =	sshll.u32 s0, $0xA;
	s2 =	sadd.s32 s3, s2  }
0x8d: {  	s2 =	sadd.s32 s2, s14  }
0x8e: {  	[smem:$0x3FC6] =	sst s2  }
0x8f: {  	_ = 	snop  }
0x90: {  	s2 =	sld [smem:$0x3FD0];
	_ =	sdelay $0x2  }
0x91: {  	s15 =	simm.s32 $0xA;
	s4 =	simm.s32 $0x10  }
0x92: {  	[smem:s4], [sflag:s15] =	dma.local [hbm:s2], $0x1  }
0x93: {  	_ =	swait.eq [sflag:s15], $0x1  }
0x94: {  	[sflag:s15] =	ssyncset.done $0x0  }
0x95: {  	s16 =	sld [smem:$0x11];
	[sflag:s15] =	ssyncadd.s32 $0xFFFFFFFF  }
0x96: {  	s17 =	sld [smem:$0x13];
	(tm) =	ssettm $0x1  }
0x97: {  	s18 =	sld [smem:$0x3FFB];
	_ =	sdelay $0x3  }
0x98: {  	_ =	strace s18  }
0x99: {  	s4 =	sld [smem:$0x3FFC];
	_ =	sdelay $0x3  }
0x9a: {  	_ =	strace s4  }
0x9b: {  	s4 =	sld [smem:$0x3FFD];
	_ =	sdelay $0x3  }
0x9c: {  	_ =	strace s4  }
0x9d: {  	_ =	strace $0x8FFFFFFF  }
0x9e: {  	s19 =	sld [smem:$0x3FDB];
	_ =	sdelay $0x1  }
0x9f: {  	s5 =	simm.s32 $_scs_section_size  }
0xa0: {  	s6 =	simm.s32 $_size__tile_overlayer_lowered;
	s7 =	simm.s32 $_tile_overlayer_lowered  }
0xa1: {  	s22 =	simm.s32 $0x1BFF;
	s21 =	sshll.u32 s7, $0x1;
	s4 =	sadd.s32 s5, s19  }
0xa2: {  	s8 =	simm.s32 $0x0;
	s20 =	sshll.u32 s6, $0x1;
	s6 =	sadd.s32 s21, s4  }
0xa3: {  	[timem:s8], [sflag:s22] =	dma.local [hbm:s6], s20  }
0xa4: {  	_ =	swait.ge [sflag:s22], s20  }
0xa5: {  	s5 =	ssub.s32 $0x0, s20;
	[sflag:s22] =	ssyncset.done $0x0  }
0xa6: {  	[sflag:s22] =	ssyncadd.s32 s5;
	_ =	sdelay $0x1  }
0xa7: {  	s23 =	simm.s32 $0x1B8B  }
0xa8: {  	_ =	swait.ge [sflag:s23], $0x1  }
0xa9: {  	[sflag:s23] =	ssyncset.done $0x0  }
0xaa: {  	s25 =	simm.s32 $0x1B8E;
	s24 =	sld [smem:$0x3FFE];
	[sflag:s23] =	ssyncadd.s32 $0xFFFFFFFF  }
0xab: {  	s26 =	simm.s32 $execute0_lowered;
	[smem:$0x3FD2] =	sst s25  }
0xac: {  	s6 =	sshll.u32 s26, $0x1;
	_ =	strace $0x80000046;
	[dreg:$0x1] =	wrdreg $0xFFFFFFFF  }
0xad: {  	s28 =	simm.s32 $_size_execute0_lowered;
	s4 =	sadd.s32 s4, s6;
	[dreg:$0x0] =	wrdreg $0x0  }
0xae: {  	s6 =	sshll.u32 s28, $0x1;
	[dreg:$0x2] =	wrdreg s4  }
0xaf: {  	[dreg:$0x3] =	wrdreg s6  }
0xb0: {  	[dreg:$0x4] =	wrdreg $0xC0  }
0xb1: {  	_ =	task [dreg:s8], $0x5FFFF  }
0xb2: {  	[dreg:$0x1] =	wrdreg $0xFFFFFFFF  }
0xb3: {  	[dreg:$0x0] =	wrdreg $0x60  }
0xb4: {  	[dreg:$0x2] =	wrdreg s17  }
0xb5: {  	[dreg:$0x3] =	wrdreg s24  }
0xb6: {  	[dreg:$0x4] =	wrdreg s16  }
0xb7: {  	[dreg:$0x5] =	wrdreg $0x9  }
0xb8: {  	_ =	task.clear_ibuf [dreg:s8], $0x6FFFF;
	_ =	strace $0x90000046  }
0xb9: {  	s29 =	simm.s32 $0x9;
	_ =	strace $0x80000048  }
0xba: {  	_ =	swait.ge [sflag:s29], $0x1  }
0xbb: {  	[sflag:s29] =	ssyncadd.s32 $0xFFFFFFFF  }
0xbc: {  	_ =	strace $0x90000048  }
0xbd: {  	_ =	sfence  }
0xbe: {  	s30 =	sld [smem:$0x0];
	_ =	sdelay $0x2  }
0xbf: {  	s31 =	sshll.u32 s1, $0xD;
	s1 =	sshrl.u32 s1, $0x2  }
0xc0: {  	s3 =	sand.u32 $0x4000, s31;
	s1 =	sadd.s32 s1, s30  }
0xc1: {  	s0 =	sor.u32 s3, s0;
	s1 =	sshll.u32 s1, $0x11  }
0xc2: {  	s0 =	sor.u32 s1, s0  }
0xc3: {  	s0 =	sadd.s32 $0x8F2B, s0  }
0xc4: {  	[sflag:s0] =	ssyncadd.remote.s32 $0x1  }
0xc5: {  	_ =	sfence.sel $0xFFFF  }
0xc6: {  	[dreg:$0x0] =	wrdreg $0xFFFFFFFF;
	(pc) =	sbr.abs _section_cstart, $3  }
0xc7: {  	[dreg:$0x1] =	wrdreg $0xFFFFFFFF  }
0xc8: {  	_ =	task.clear_ibuf [dreg:s8], $0x2FFFF;
	_ =	strace $0x9FFFFFFF  }
0xc9: {  	(tm) =	ssettm $0x7FFFFFFF  }
tec
execute0_lowered:
.L_overlay_start_1:
0x0: {  	(tag) =	ssettag $0x1  }
0x1: {  	s1 =	stileid.u32  }
0x2: {  	p0 =	sgt.u32 s1, $0x7  }
.Ltmp0:
0x3: {  	s5 =	rddreg [dreg:$0x0];
	(pc) =	sbr.rel @p0 .LBB2_5-.Ltmp0, $4  }
0x4: {  	s3 =	rddreg [dreg:$0x1]  }
0x5: {  	s4 =	rddreg [dreg:$0x2];
	s2 =	simm.s32 $0x0  }
0x6: {  	[smem:$0x7FF] =	sst s2  }
0x7: {  	s0 =	rddreg [dreg:$0x3];
	_ =	strace $0x80000047  }
0x8: {  	s6 =	srdreg.scid  }
0x9: {  	s7 =	sshll.u32 s1, $0x1;
	s6 =	sand.u32 $0x1, s6  }
0xa: {  	s7 =	sor.u32 s6, s7  }
0xb: {  	s6 =	ssub.s32 $0x2, s6;
	s8 =	smul.u32 $0x190, s7  }
0xc: {  	s3 =	sadd.s32 $0x400, s3;
	s7 =	smul.u32 $0x7, s7;
	s9 =	sshrl.u32 s6, $0x1  }
0xd: {  	s10 =	simm.s32 $0x1;
	s11 =	simm.s32 $0x0;
	s6 =	ssub.s32 s6, s9  }
0xe: {  	s9 =	simm.s32 $0x38;
	s4 =	sadd.s32 s4, s8;
	s5 =	sadd.s32 s5, s7  }
0xf: {  	s6 =	smax.u32 s6, $0x1;
	s7 =	simm.s32 $0x2;
	s8 =	simm.s32 $0x32  }
.LBB2_2:
0x10: {  	s12 =	simm.s32 $0x0  }
0x11: {  	[tilespmem:s12], [sflag:$0x2] =	stream.linear.gather [hbm4b:s5+s12], $0x38, $0x38;
	[tilespmem:$0xCB8] =	vst v63  }
0x12: {  	_ =	swait.ge [sflag:s7], $0x38  }
0x13: {  	[sflag:s7] =	ssyncset.done $0x0  }
0x14: {  	[sflag:s7] =	ssyncadd.s32 $0xFFFFFFC8  }
0x15: {  	[tilespmem:s9], [sflag:$0x1] =	stream.indirect.gather [hbm4b:s3+s8], $0x40, s12, s8, $0xb8;
	[tilespmem:$0xCB8] =	vst v63  }
0x16: {  	_ =	swait.ge [sflag:s10], $0xC80  }
0x17: {  	[sflag:s10] =	ssyncset.done $0x0  }
0x18: {  	s12 =	simm.s32 $0x0;
	[sflag:s10] =	ssyncadd.s32 $0xFFFFF380  }
0x19: {  	v0 =	vld [tilespmem:s12+$0x38]  }
0x1a: {  	v2 =	vld [tilespmem:s12+$0x48]  }
0x1b: {  	s13 =	simm.s32 $0x100;
	v1 =	vld [tilespmem:s12+$0x58]  }
.LBB2_3:
0x1c: {  	p0 =	sne.s32 s13, $0x3100;
	v3 =	vld [tilespmem:s12+$0x68];
	_ =	sdelay $0x1  }
0x1d: {  	v0 =	vadd.f32 $5.000000000e-01, v0  }
.Ltmp1:
0x1e: {  	v2 =	vadd.f32 $5.000000000e-01, v2;
	(pc) =	sbr.rel @p0 .LBB2_3-.Ltmp1, $4  }
0x1f: {  	s14 =	sshra.s32 s13, $0x2;
	[tilespmem:s12+$0x38] =	vst v0;
	v1 =	vadd.f32 $5.000000000e-01, v1  }
0x20: {  	v0 =	vld [tilespmem:s14+$0x38];
	[tilespmem:s12+$0x48] =	vst v2;
	v3 =	vadd.f32 $5.000000000e-01, v3  }
0x21: {  	v2 =	vld [tilespmem:s14+$0x48];
	[tilespmem:s12+$0x58] =	vst v1  }
0x22: {  	s13 =	sadd.s32 $0x100, s13;
	v1 =	vld [tilespmem:s14+$0x58];
	[tilespmem:s12+$0x68] =	vst v3;
	s12 =	smov.u32 s14  }
0x23: {  	v3 =	vld [tilespmem:s12+$0x68];
	_ =	sdelay $0x1  }
0x24: {  	v0 =	vadd.f32 $5.000000000e-01, v0  }
0x25: {  	v2 =	vadd.f32 $5.000000000e-01, v2  }
0x26: {  	[tilespmem:s12+$0x38] =	vst v0;
	v62 =	vadd.f32 $5.000000000e-01, v1  }
0x27: {  	s11 =	sadd.s32 $0x1, s11;
	[tilespmem:s12+$0x48] =	vst v2;
	v63 =	vadd.f32 $5.000000000e-01, v3  }
0x28: {  	p0 =	sne.s32 s11, s6;
	[tilespmem:s12+$0x58] =	vst v62  }
.Ltmp2:
0x29: {  	[tilespmem:s12+$0x68] =	vst v63;
	(pc) =	sbr.rel @p0 .LBB2_2-.Ltmp2, $4  }
0x2a: {  	[hbm4b:s4+s2] =	stream.linear.scatter [tilespmem:s9], [sflag:$0x2], $0xC80, $0x38;
	[tilespmem:$0xCB8] =	vst v63  }
0x2b: {  	_ =	swait.ge [sflag:s7], $0xC80  }
0x2c: {  	[sflag:s7] =	ssyncset.done $0x0  }
0x2d: {  	[sflag:s7] =	ssyncadd.s32 $0xFFFFF380  }
.LBB2_5:
0x2e: {  	_ =	sfence.sel $0x180000  }
0x2f: {  	[bflag:$0x0] =	sbarrier.arrive $0xFFFF  }
0x30: {  	p0 =	sne.s32 s1, $0x0;
	_ =	strace $0x90000047  }
0x31: {  	s0 =	sadd.s32 @!p0 $0x100000, s0;
	[bflag:$0x2] =	sbarrier.arrive $0xFFFF  }
0x32: {  	[sflag:s0] =	ssyncadd.tile.s32 @!p0 $0x1;
	_ =	shalt  }
.Lfunc_end2:
_tile_overlayer_lowered:
.L_overlay_start_2:
0x33: {  	(tag) =	ssettag $0x2  }
0x34: {  	s0 =	rddreg [dreg:$0x0];
	s2 =	stileid.u32  }
0x35: {  	s1 =	rddreg [dreg:$0x1];
	p0 =	sne.s32 s2, $0x0  }
0x36: {  	s3 =	rddreg [dreg:$0x2];
	[bflag:$0x3] =	sbarrier.arrive $0xFFFF;
	s2 =	simm.s32 @!p0 $0x1C02  }
0x37: {  	[timem:s3], [sflag:s2] =	dma.local @!p0 [hbm:s0], s1  }
0x38: {  	s0 =	simm.s32 @!p0 $0x2  }
0x39: {  	_ =	swait.ge @!p0 [sflag:s0], s1  }
0x3a: {  	s1 =	ssub.s32 @!p0 $0x0, s1;
	[sflag:s0] =	ssyncset.done @!p0 $0x0  }
0x3b: {  	[sflag:s0] =	ssyncadd.s32 @!p0 s1  }
0x3c: {  	[bflag:$0x3] =	sbarrier.arrive $0xFFFF  }
0x3d: {  	_ =	shalt  }

</sc_bundles>
